<compile_context>
chip_gen: v7x
topology: tpu7x:2x2x1
jax: 0.10.2.dev20260603
libtpu: 0.0.44.dev20260713+nightly
codegen_flags: <defaults>
</compile_context>

<pallas_src>
import functools
import math

import jax
import jax.numpy as jnp
from jax import lax
from jax.experimental import pallas as pl
from jax.experimental.pallas import tpu as pltpu
from jax.experimental.pallas import tpu_sc as plsc

_NE = 4096
_ZD = 128
_B = 8192
_XD = 5
_PREC = 10.0
_BETA = 1.0
_C0 = -0.5 * _XD * math.log(2.0 * math.pi / _PREC)

_BT = 2048
_NC, _NS = 2, 16
_NW = _NC * _NS
_BW = _B // _NW


def _relu(v):
    return jnp.maximum(v, 0.0)


def _dot(a, b):
    return jax.lax.dot_general(
        a, b, (((1,), (0,)), ((), ())), preferred_element_type=jnp.float32)


def _dott(a, b):
    return jax.lax.dot_general(
        a, b, (((1,), (1,)), ((), ())), preferred_element_type=jnp.float32)


def _main_body(x_ref, emb_ref,
               w1_ref, b1_ref, w2_ref, b2_ref, w3_ref, b3_ref, w4_ref, b4_ref,
               w5_ref, b5_ref, w6_ref, b6_ref, w7_ref, b7_ref, w8_ref, b8_ref,
               mi_ref, vq_ref, rt_ref, ea_ref, e2_ref, col_ref):
    i = pl.program_id(0)

    @pl.when(i == 0)
    def _init():
        e = emb_ref[...]
        ea = 2.0 * jnp.transpose(e, (1, 0))
        ea_ref[...] = ea.astype(jnp.bfloat16)
        e2_ref[...] = 1.0 - 0.25 * jnp.sum(ea * ea, axis=0, keepdims=True)
        col_ref[...] = lax.broadcasted_iota(jnp.int32, (1, _NE), 1)
        h = _relu(_dott(e, w5_ref[...]) + b5_ref[...])
        h = _relu(_dott(h, w6_ref[...]) + b6_ref[...])
        h = _relu(_dott(h, w7_ref[...]) + b7_ref[...])
        rt_ref[...] = _dott(h, w8_ref[...]) + b8_ref[...]
        vq_ref[...] = jnp.zeros_like(vq_ref)

    xb = x_ref[...]
    h = _relu(_dott(xb, w1_ref[...]) + b1_ref[...])
    h = _relu(_dott(h, w2_ref[...]) + b2_ref[...])
    h = _relu(_dott(h, w3_ref[...]) + b3_ref[...])
    z = _dott(h, w4_ref[...]) + b4_ref[...]

    tc = _dot(z.astype(jnp.bfloat16), ea_ref[...]) + e2_ref[...]
    keys = lax.bitcast_convert_type(
        (lax.bitcast_convert_type(tc, jnp.int32) & jnp.int32(~0xFFF))
        | col_ref[...], jnp.float32)
    kmax = jnp.max(keys, axis=1)
    ki = lax.bitcast_convert_type(kmax, jnp.int32)
    mi_ref[...] = ki & jnp.int32(0xFFF)
    mn = lax.bitcast_convert_type(ki & jnp.int32(~0xFFF), jnp.float32) - 1.0

    part = jnp.sum(z * z) - jnp.sum(mn)
    vq_ref[...] = vq_ref[...] + part


def _sc_gather_body(rt_hbm, idx_hbm, x_hbm, out_hbm,
                    tab_sh, idx_v, rows_v, x_v, acc_v, sem):
    sid = lax.axis_index("s")
    wid = sid * _NC + lax.axis_index("c")
    base = wid * _BW
    @pl.when(sid == 0)
    def _stage():
        pltpu.sync_copy(rt_hbm, tab_sh)
    pltpu.sync_copy(idx_hbm.at[pl.ds(base, _BW)], idx_v)
    pltpu.sync_copy(x_hbm.at[pl.ds(base, _BW)], x_v)
    plsc.subcore_barrier()
    cp = pltpu.async_copy(tab_sh.at[idx_v], rows_v, sem)
    cp.wait()

    def body(i, acc):
        d = x_v[i, :] - rows_v[i, :]
        return acc + d * d

    acc_v[...] = lax.fori_loop(0, _BW, body, jnp.zeros((16,), jnp.float32))
    pltpu.sync_copy(acc_v, out_hbm.at[wid, pl.ds(0, 16)])


def _final_body(vq_ref, sq_ref, o_ref):
    s = jnp.sum(sq_ref[:, 0:16])
    o_ref[...] = (1.0 + _BETA) * vq_ref[...] + (0.5 * _PREC * s - _B * _C0)


def kernel(x, emb, W1, b1, W2, b2, W3, b3, W4, b4,
           W5, b5, W6, b6, W7, b7, W8, b8):
    f32 = jnp.float32
    row = lambda v: v.reshape(1, -1)
    w1p = jnp.zeros((16, 16), f32).at[:, :_XD].set(W1)
    w8p = jnp.zeros((16, 16), f32).at[:_XD, :].set(W8)
    b8p = jnp.zeros((1, 16), f32).at[:, :_XD].set(b8[None, :])

    n_t = _B // _BT
    full = lambda a: pl.BlockSpec(a.shape, lambda i: (0,) * a.ndim)

    weights = [w1p, row(b1), W2, row(b2), W3, row(b3), W4, row(b4),
               W5, row(b5), W6, row(b6), W7, row(b7), w8p, b8p]

    xp = jnp.zeros((_B, 16), f32).at[:, :_XD].set(x)

    mi, vq, rtab = pl.pallas_call(
        _main_body,
        grid=(n_t,),
        in_specs=[pl.BlockSpec((_BT, 16), lambda i: (i, 0)),
                  full(emb)] + [full(w) for w in weights],
        out_specs=[pl.BlockSpec((_BT,), lambda i: (i,)),
                   pl.BlockSpec((1, 1), lambda i: (0, 0)),
                   pl.BlockSpec((_NE, 16), lambda i: (0, 0))],
        out_shape=[jax.ShapeDtypeStruct((_B,), jnp.int32),
                   jax.ShapeDtypeStruct((1, 1), f32),
                   jax.ShapeDtypeStruct((_NE, 16), f32)],
        scratch_shapes=[pltpu.VMEM((_ZD, _NE), jnp.bfloat16),
                        pltpu.VMEM((1, _NE), f32),
                        pltpu.VMEM((1, _NE), jnp.int32)],
    )(xp, emb, *weights)

    mesh = plsc.VectorSubcoreMesh(core_axis_name="c", subcore_axis_name="s",
                                  num_cores=_NC, num_subcores=_NS)
    sq = pl.kernel(
        _sc_gather_body,
        mesh=mesh,
        out_type=jax.ShapeDtypeStruct((_NW, 128), f32),
        scratch_types=[pltpu.VMEM_SHARED((_NE, 16), f32),
                       pltpu.VMEM((_BW,), jnp.int32),
                       pltpu.VMEM((_BW, 16), f32),
                       pltpu.VMEM((_BW, 16), f32),
                       pltpu.VMEM((16,), f32),
                       pltpu.SemaphoreType.DMA],
        compiler_params=pltpu.CompilerParams(use_tc_tiling_on_sc=False),
    )(rtab, mi, xp)

    loss = pl.pallas_call(
        _final_body,
        in_specs=[pl.BlockSpec(vq.shape, lambda: (0, 0)),
                  pl.BlockSpec(sq.shape, lambda: (0, 0))],
        out_specs=pl.BlockSpec((1, 1), lambda: (0, 0)),
        out_shape=jax.ShapeDtypeStruct((1, 1), f32),
    )(vq, sq)
    return loss[0, 0]

# --- scband reference (transcript-rebuilt; emitter-appended) ---
"""Pipeline reference for scband-vq-vae-72619307040979 (READ-ONLY COPY).

The authoritative reference and input builder live on the scoring server;
editing this copy changes nothing except your own understanding.
"""

import jax, jax.numpy as jnp
import numpy as np

N_E = 4096
Z_DIM = 128
BETA = 1.0
MODEL_PRECISION = 10.0
X_DIM = 5
BATCH = 8192


def _linear_params(k, fan_in, fan_out):
    k1, k2 = jax.random.split(k)
    bound = 1.0 / np.sqrt(fan_in)
    W = jax.random.uniform(k1, (fan_out, fan_in), minval=-bound, maxval=bound, dtype=jnp.float32)
    b = jax.random.uniform(k2, (fan_out,), minval=-bound, maxval=bound, dtype=jnp.float32)
    return W, b


def setup_inputs(seed: int = 0):
    key = jax.random.key(seed)
    ks = jax.random.split(key, 10)
    x = jax.random.normal(ks[0], (BATCH, 5), dtype=jnp.float32)
    W1, b1 = _linear_params(ks[1], 5, 16)
    W2, b2 = _linear_params(ks[2], 16, 32)
    W3, b3 = _linear_params(ks[3], 32, 16)
    W4, b4 = _linear_params(ks[4], 16, Z_DIM)
    W5, b5 = _linear_params(ks[5], Z_DIM, 16)
    W6, b6 = _linear_params(ks[6], 16, 32)
    W7, b7 = _linear_params(ks[7], 32, 16)
    W8, b8 = _linear_params(ks[8], 16, 5)
    emb = jax.random.uniform(ks[9], (N_E, Z_DIM), minval=-1.0 / N_E, maxval=1.0 / N_E, dtype=jnp.float32)
    return {"x": x, "emb": emb,
            "W1": W1, "b1": b1, "W2": W2, "b2": b2, "W3": W3, "b3": b3, "W4": W4, "b4": b4,
            "W5": W5, "b5": b5, "W6": W6, "b6": b6, "W7": W7, "b7": b7, "W8": W8, "b8": b8}


def reference(x, emb, W1, b1, W2, b2, W3, b3, W4, b4, W5, b5, W6, b6, W7, b7, W8, b8):
    # encode
    z = jax.nn.relu(x @ W1.T + b1)
    z = jax.nn.relu(z @ W2.T + b2)
    z = jax.nn.relu(z @ W3.T + b3)
    z = z @ W4.T + b4
    # vector quantization (vectorized form of the per-sample loop):
    # argmin over ||z_i - e_j|| == argmin over squared distance expansion
    d2 = jnp.sum(z * z, axis=1, keepdims=True) - 2.0 * (z @ emb.T) + jnp.sum(emb * emb, axis=1)[None, :]
    min_ind = jnp.argmin(d2, axis=1)
    oh = jax.nn.one_hot(min_ind, N_E, dtype=z.dtype)
    z_q = oh @ emb
    embed_loss = jnp.sum(jnp.sum((jax.lax.stop_gradient(z) - z_q) ** 2, axis=1))
    commit_loss = BETA * jnp.sum(jnp.sum((z - jax.lax.stop_gradient(z_q)) ** 2, axis=1))
    vq_loss = embed_loss + commit_loss
    # decode
    h = jax.nn.relu(z_q @ W5.T + b5)
    h = jax.nn.relu(h @ W6.T + b6)
    h = jax.nn.relu(h @ W7.T + b7)
    x_rec = (h @ W8.T + b8).reshape(-1, X_DIM)
    # gaussian observation model with precision * I
    pxz = -0.5 * X_DIM * jnp.log(2.0 * jnp.pi / MODEL_PRECISION) - 0.5 * MODEL_PRECISION * jnp.sum((x.reshape(-1, X_DIM) - x_rec) ** 2, axis=1)
    elbo = jnp.sum(pxz)
    loss = -elbo + vq_loss
    return loss

if __name__ == "__main__":
    import jax
    _d = setup_inputs()
    print(jax.jit(kernel)(*tuple(_d.values())))

</pallas_src>

<mosaic_0001>
#map = affine_map<(d0, d1) -> (0, 0)>
#map1 = affine_map<(d0, d1) -> (0)>
module attributes {stable_mosaic.version = 14 : i64} {
  func.func @_sc_gather_body(%arg0: i32, %arg1: i32, %arg2: memref<4096x16xf32, #tpu.memory_space<hbm>>, %arg3: memref<8192xi32, #tpu.memory_space<hbm>>, %arg4: memref<8192x16xf32, #tpu.memory_space<hbm>>, %arg5: memref<32x128xf32, #tpu.memory_space<hbm>>, %arg6: memref<4096x16xf32, #tpu.memory_space<vmem_shared>>, %arg7: memref<256xi32, #tpu.memory_space<vmem>>, %arg8: memref<256x16xf32, #tpu.memory_space<vmem>>, %arg9: memref<256x16xf32, #tpu.memory_space<vmem>>, %arg10: memref<16xf32, #tpu.memory_space<vmem>>, %arg11: memref<!tpu.dma_semaphore, #tpu.memory_space<semaphore_mem>>) attributes {dimension_semantics = [#tpu.dimension_semantics<core_parallel>, #tpu.dimension_semantics<subcore_parallel>], iteration_bounds = array<i64: 2, 16>, scalar_prefetch = 0 : i64, scratch_operands = 6 : i64, tpu.core_type = #tpu.core_type<sc_vector_subcore>, window_params = [{transform_indices = #map}, {transform_indices = #map1}, {transform_indices = #map}, {transform_indices = #map}]} {
    %mul3A = arith.constant 2 : i32
    %mul3A_0 = arith.muli %arg1, %mul3A : i32
    %add3A = arith.addi %mul3A_0, %arg0 : i32
    %mul3A_1 = arith.constant 256 : i32
    %mul3A_2 = arith.muli %add3A, %mul3A_1 : i32
    %eq3A = arith.constant 0 : i32
    %eq3A_3 = arith.cmpi eq, %arg1, %eq3A : i32
    %convert_element_type3A = arith.extui %eq3A_3 : i1 to i32
    %cond3A = arith.constant 0 : i32
    %cond3A_4 = arith.cmpi ne, %convert_element_type3A, %cond3A : i32
    scf.if %cond3A_4 {
      "tpu.region"() ({
        %run_scoped3A = tpu.sem_alloc : memref<!tpu.dma_semaphore, #tpu.memory_space<semaphore_mem>>
        tpu.enqueue_dma source(%arg2 : memref<4096x16xf32, #tpu.memory_space<hbm>>) target(%arg6 : memref<4096x16xf32, #tpu.memory_space<vmem_shared>>) target_semaphore(%run_scoped3A : memref<!tpu.dma_semaphore, #tpu.memory_space<semaphore_mem>>)
        tpu.wait_dma2 semaphore(%run_scoped3A : memref<!tpu.dma_semaphore, #tpu.memory_space<semaphore_mem>>) src(%arg2 : memref<4096x16xf32, #tpu.memory_space<hbm>>) dst(%arg6 : memref<4096x16xf32, #tpu.memory_space<vmem_shared>>)
        tpu.yield
      }) : () -> ()
    } else {
    }
    "tpu.region"() ({
      %run_scoped3A = tpu.sem_alloc : memref<!tpu.dma_semaphore, #tpu.memory_space<semaphore_mem>>
      %dma_start3A_18 = tpu.memref_slice %arg3[%mul3A_2] : memref<8192xi32, #tpu.memory_space<hbm>> -> memref<256xi32, #tpu.memory_space<hbm>>
      %dma_start3A_19 = tpu.memref_slice %arg3[%mul3A_2] : memref<8192xi32, #tpu.memory_space<hbm>> -> memref<256xi32, #tpu.memory_space<hbm>>
      tpu.enqueue_dma source(%dma_start3A_19 : memref<256xi32, #tpu.memory_space<hbm>>) target(%arg7 : memref<256xi32, #tpu.memory_space<vmem>>) target_semaphore(%run_scoped3A : memref<!tpu.dma_semaphore, #tpu.memory_space<semaphore_mem>>)
      %dma_wait3A_20 = tpu.memref_slice %arg3[%mul3A_2] : memref<8192xi32, #tpu.memory_space<hbm>> -> memref<256xi32, #tpu.memory_space<hbm>>
      %dma_wait3A_21 = tpu.memref_slice %arg3[%mul3A_2] : memref<8192xi32, #tpu.memory_space<hbm>> -> memref<256xi32, #tpu.memory_space<hbm>>
      tpu.wait_dma2 semaphore(%run_scoped3A : memref<!tpu.dma_semaphore, #tpu.memory_space<semaphore_mem>>) src(%dma_wait3A_21 : memref<256xi32, #tpu.memory_space<hbm>>) dst(%arg7 : memref<256xi32, #tpu.memory_space<vmem>>)
      tpu.yield
    }) : () -> ()
    "tpu.region"() ({
      %run_scoped3A = tpu.sem_alloc : memref<!tpu.dma_semaphore, #tpu.memory_space<semaphore_mem>>
      %dma_start3A_18 = arith.constant 0 : i32
      %dma_start3A_19 = tpu.memref_slice %arg4[%mul3A_2, %dma_start3A_18] : memref<8192x16xf32, #tpu.memory_space<hbm>> -> memref<256x16xf32, #tpu.memory_space<hbm>>
      %dma_start3A_20 = arith.constant 0 : i32
      %dma_start3A_21 = tpu.memref_slice %arg4[%mul3A_2, %dma_start3A_20] : memref<8192x16xf32, #tpu.memory_space<hbm>> -> memref<256x16xf32, #tpu.memory_space<hbm>>
      tpu.enqueue_dma source(%dma_start3A_21 : memref<256x16xf32, #tpu.memory_space<hbm>>) target(%arg9 : memref<256x16xf32, #tpu.memory_space<vmem>>) target_semaphore(%run_scoped3A : memref<!tpu.dma_semaphore, #tpu.memory_space<semaphore_mem>>)
      %dma_wait3A_22 = arith.constant 0 : i32
      %dma_wait3A_23 = tpu.memref_slice %arg4[%mul3A_2, %dma_wait3A_22] : memref<8192x16xf32, #tpu.memory_space<hbm>> -> memref<256x16xf32, #tpu.memory_space<hbm>>
      %dma_wait3A_24 = arith.constant 0 : i32
      %dma_wait3A_25 = tpu.memref_slice %arg4[%mul3A_2, %dma_wait3A_24] : memref<8192x16xf32, #tpu.memory_space<hbm>> -> memref<256x16xf32, #tpu.memory_space<hbm>>
      tpu.wait_dma2 semaphore(%run_scoped3A : memref<!tpu.dma_semaphore, #tpu.memory_space<semaphore_mem>>) src(%dma_wait3A_25 : memref<256x16xf32, #tpu.memory_space<hbm>>) dst(%arg9 : memref<256x16xf32, #tpu.memory_space<vmem>>)
      tpu.yield
    }) : () -> ()
    %barrier3A = arith.constant 0 : index
    tpu.barrier barrier_id(%barrier3A)
    %dma_start3A = arith.constant 0 : i32
    %dma_start3A_5 = arith.constant 0 : i32
    %dma_start3A_6 = tpu.memref_slice %arg6[%dma_start3A, %dma_start3A_5] : memref<4096x16xf32, #tpu.memory_space<vmem_shared>> -> memref<4096x16xf32, #tpu.memory_space<vmem_shared>>
    tpu.enqueue_indirect_dma source(%dma_start3A_6 : memref<4096x16xf32, #tpu.memory_space<vmem_shared>>) target(%arg8 : memref<256x16xf32, #tpu.memory_space<vmem>>) offsets(%arg7 : memref<256xi32, #tpu.memory_space<vmem>>) semaphore(%arg11 : memref<!tpu.dma_semaphore, #tpu.memory_space<semaphore_mem>>)
    %dma_wait3A = arith.constant 0 : i32
    %dma_wait3A_7 = arith.constant 0 : i32
    %dma_wait3A_8 = tpu.memref_slice %arg6[%dma_wait3A, %dma_wait3A_7] : memref<4096x16xf32, #tpu.memory_space<vmem_shared>> -> memref<4096x16xf32, #tpu.memory_space<vmem_shared>>
    tpu.wait_indirect_dma semaphore(%arg11 : memref<!tpu.dma_semaphore, #tpu.memory_space<semaphore_mem>>) src(%dma_wait3A_8 : memref<4096x16xf32, #tpu.memory_space<vmem_shared>>) dst(%arg8 : memref<256x16xf32, #tpu.memory_space<vmem>>)
    %broadcast_in_dim3A = arith.constant 0.000000e+00 : f32
    %broadcast_in_dim3A_9 = vector.broadcast %broadcast_in_dim3A : f32 to vector<16xf32>
    %scan3A = arith.constant 0 : i32
    %scan3A_10 = arith.constant 256 : i32
    %scan3A_11 = arith.addi %scan3A, %scan3A_10 : i32
    %scan3A_12 = arith.constant 1 : i32
    %scan3A_13 = scf.for %scan3A_18 = %scan3A to %scan3A_11 step %scan3A_12 iter_args(%scan3A_19 = %broadcast_in_dim3A_9) -> (vector<16xf32>)  : i32 {
      %get3A = arith.index_cast %scan3A_18 : i32 to index
      %get3A_20 = arith.constant 0 : index
      %get3A_21 = tpu.vector_load %arg9[%get3A, %get3A_20] {strides = array<i32>} : memref<256x16xf32, #tpu.memory_space<vmem>>, vector<1x16xf32>,
      %get3A_22 = vector.shape_cast %get3A_21 : vector<1x16xf32> to vector<16xf32>
      %get3A_23 = arith.index_cast %scan3A_18 : i32 to index
      %get3A_24 = arith.constant 0 : index
      %get3A_25 = tpu.vector_load %arg8[%get3A_23, %get3A_24] {strides = array<i32>} : memref<256x16xf32, #tpu.memory_space<vmem>>, vector<1x16xf32>,
      %get3A_26 = vector.shape_cast %get3A_25 : vector<1x16xf32> to vector<16xf32>
      %sub3A = arith.subf %get3A_22, %get3A_26 : vector<16xf32>
      %mul3A_27 = arith.mulf %sub3A, %sub3A : vector<16xf32>
      %add3A_28 = arith.addf %scan3A_19, %mul3A_27 : vector<16xf32>
      scf.yield %add3A_28 : vector<16xf32>
    }
    %scan3A_14 = arith.constant 256 : i32
    %swap3A = arith.constant 0 : index
    %swap3A_15 = tpu.vector_load %arg10[%swap3A] {strides = array<i32>} : memref<16xf32, #tpu.memory_space<vmem>>, vector<16xf32>,
    %swap3A_16 = vector.shape_cast %swap3A_15 : vector<16xf32> to vector<16xf32>
    %swap3A_17 = vector.shape_cast %scan3A_13 : vector<16xf32> to vector<16xf32>
    tpu.vector_store %arg10[%swap3A], %swap3A_17 {strides = array<i32>} : memref<16xf32, #tpu.memory_space<vmem>>, vector<16xf32>,
    "tpu.region"() ({
      %run_scoped3A = tpu.sem_alloc : memref<!tpu.dma_semaphore, #tpu.memory_space<semaphore_mem>>
      %dma_start3A_18 = arith.constant 0 : i32
      %dma_start3A_19 = tpu.memref_slice %arg5[%add3A, %dma_start3A_18] : memref<32x128xf32, #tpu.memory_space<hbm>> -> memref<1x16xf32, #tpu.memory_space<hbm>>
      %dma_start3A_20 = tpu.memref_squeeze %dma_start3A_19 : memref<1x16xf32, #tpu.memory_space<hbm>> -> memref<16xf32, #tpu.memory_space<hbm>>
      %dma_start3A_21 = arith.constant 0 : i32
      %dma_start3A_22 = tpu.memref_slice %arg5[%add3A, %dma_start3A_21] : memref<32x128xf32, #tpu.memory_space<hbm>> -> memref<1x16xf32, #tpu.memory_space<hbm>>
      %dma_start3A_23 = tpu.memref_squeeze %dma_start3A_22 : memref<1x16xf32, #tpu.memory_space<hbm>> -> memref<16xf32, #tpu.memory_space<hbm>>
      tpu.enqueue_dma source(%arg10 : memref<16xf32, #tpu.memory_space<vmem>>) target(%dma_start3A_23 : memref<16xf32, #tpu.memory_space<hbm>>) target_semaphore(%run_scoped3A : memref<!tpu.dma_semaphore, #tpu.memory_space<semaphore_mem>>)
      %dma_wait3A_24 = arith.constant 0 : i32
      %dma_wait3A_25 = tpu.memref_slice %arg5[%add3A, %dma_wait3A_24] : memref<32x128xf32, #tpu.memory_space<hbm>> -> memref<1x16xf32, #tpu.memory_space<hbm>>
      %dma_wait3A_26 = tpu.memref_squeeze %dma_wait3A_25 : memref<1x16xf32, #tpu.memory_space<hbm>> -> memref<16xf32, #tpu.memory_space<hbm>>
      %dma_wait3A_27 = arith.constant 0 : i32
      %dma_wait3A_28 = tpu.memref_slice %arg5[%add3A, %dma_wait3A_27] : memref<32x128xf32, #tpu.memory_space<hbm>> -> memref<1x16xf32, #tpu.memory_space<hbm>>
      %dma_wait3A_29 = tpu.memref_squeeze %dma_wait3A_28 : memref<1x16xf32, #tpu.memory_space<hbm>> -> memref<16xf32, #tpu.memory_space<hbm>>
      tpu.wait_dma2 semaphore(%run_scoped3A : memref<!tpu.dma_semaphore, #tpu.memory_space<semaphore_mem>>) src(%arg10 : memref<16xf32, #tpu.memory_space<vmem>>) dst(%dma_wait3A_29 : memref<16xf32, #tpu.memory_space<hbm>>)
      tpu.yield
    }) : () -> ()
    return
  }
}

module attributes {stable_mosaic.version = 14 : i64} {
  func.func @_main_body(%arg0: i32, %arg1: memref<2048x16xf32, #tpu.memory_space<vmem>>, %arg2: memref<4096x128xf32, #tpu.memory_space<vmem>>, %arg3: memref<16x16xf32, #tpu.memory_space<vmem>>, %arg4: memref<1x16xf32, #tpu.memory_space<vmem>>, %arg5: memref<32x16xf32, #tpu.memory_space<vmem>>, %arg6: memref<1x32xf32, #tpu.memory_space<vmem>>, %arg7: memref<16x32xf32, #tpu.memory_space<vmem>>, %arg8: memref<1x16xf32, #tpu.memory_space<vmem>>, %arg9: memref<128x16xf32, #tpu.memory_space<vmem>>, %arg10: memref<1x128xf32, #tpu.memory_space<vmem>>, %arg11: memref<16x128xf32, #tpu.memory_space<vmem>>, %arg12: memref<1x16xf32, #tpu.memory_space<vmem>>, %arg13: memref<32x16xf32, #tpu.memory_space<vmem>>, %arg14: memref<1x32xf32, #tpu.memory_space<vmem>>, %arg15: memref<16x32xf32, #tpu.memory_space<vmem>>, %arg16: memref<1x16xf32, #tpu.memory_space<vmem>>, %arg17: memref<16x16xf32, #tpu.memory_space<vmem>>, %arg18: memref<1x16xf32, #tpu.memory_space<vmem>>, %arg19: memref<2048xi32, #tpu.memory_space<vmem>>, %arg20: memref<1x1xf32, #tpu.memory_space<vmem>>, %arg21: memref<4096x16xf32, #tpu.memory_space<vmem>>, %arg22: memref<128x4096xbf16, #tpu.memory_space<vmem>>, %arg23: memref<1x4096xf32, #tpu.memory_space<vmem>>, %arg24: memref<1x4096xi32, #tpu.memory_space<vmem>>) attributes {dimension_semantics = [#tpu.dimension_semantics<arbitrary>], iteration_bounds = array<i64: 4>, scalar_prefetch = 0 : i64, scratch_operands = 3 : i64, tpu.core_type = #tpu.core_type<tc>, window_params = [{transform_indices = @transform_0, window_bounds = array<i64: 2048, 16>}, {pipeline_mode = #tpu.pipeline_mode<synchronous>, transform_indices = @transform_1, window_bounds = array<i64: 4096, 128>}, {pipeline_mode = #tpu.pipeline_mode<synchronous>, transform_indices = @transform_2, window_bounds = array<i64: 16, 16>}, {pipeline_mode = #tpu.pipeline_mode<synchronous>, transform_indices = @transform_3, window_bounds = array<i64: 1, 16>}, {pipeline_mode = #tpu.pipeline_mode<synchronous>, transform_indices = @transform_4, window_bounds = array<i64: 32, 16>}, {pipeline_mode = #tpu.pipeline_mode<synchronous>, transform_indices = @transform_5, window_bounds = array<i64: 1, 32>}, {pipeline_mode = #tpu.pipeline_mode<synchronous>, transform_indices = @transform_6, window_bounds = array<i64: 16, 32>}, {pipeline_mode = #tpu.pipeline_mode<synchronous>, transform_indices = @transform_7, window_bounds = array<i64: 1, 16>}, {pipeline_mode = #tpu.pipeline_mode<synchronous>, transform_indices = @transform_8, window_bounds = array<i64: 128, 16>}, {pipeline_mode = #tpu.pipeline_mode<synchronous>, transform_indices = @transform_9, window_bounds = array<i64: 1, 128>}, {pipeline_mode = #tpu.pipeline_mode<synchronous>, transform_indices = @transform_10, window_bounds = array<i64: 16, 128>}, {pipeline_mode = #tpu.pipeline_mode<synchronous>, transform_indices = @transform_11, window_bounds = array<i64: 1, 16>}, {pipeline_mode = #tpu.pipeline_mode<synchronous>, transform_indices = @transform_12, window_bounds = array<i64: 32, 16>}, {pipeline_mode = #tpu.pipeline_mode<synchronous>, transform_indices = @transform_13, window_bounds = array<i64: 1, 32>}, {pipeline_mode = #tpu.pipeline_mode<synchronous>, transform_indices = @transform_14, window_bounds = array<i64: 16, 32>}, {pipeline_mode = #tpu.pipeline_mode<synchronous>, transform_indices = @transform_15, window_bounds = array<i64: 1, 16>}, {pipeline_mode = #tpu.pipeline_mode<synchronous>, transform_indices = @transform_16, window_bounds = array<i64: 16, 16>}, {pipeline_mode = #tpu.pipeline_mode<synchronous>, transform_indices = @transform_17, window_bounds = array<i64: 1, 16>}, {transform_indices = @transform_18, window_bounds = array<i64: 2048>}, {pipeline_mode = #tpu.pipeline_mode<synchronous>, transform_indices = @transform_19, window_bounds = array<i64: 1, 1>}, {pipeline_mode = #tpu.pipeline_mode<synchronous>, transform_indices = @transform_20, window_bounds = array<i64: 4096, 16>}]} {
    %eq3A = arith.constant 0 : i32
    %eq3A_0 = arith.cmpi eq, %arg0, %eq3A : i32
    %convert_element_type3A = arith.extui %eq3A_0 : i1 to i32
    %cond3A = arith.constant 0 : i32
    %cond3A_1 = arith.cmpi ne, %convert_element_type3A, %cond3A : i32
    scf.if %cond3A_1 {
      %get3A_98 = arith.constant 0 : index
      %get3A_99 = arith.constant 0 : index
      %get3A_100 = vector.load %arg2[%get3A_98, %get3A_99] : memref<4096x128xf32, #tpu.memory_space<vmem>>, vector<4096x128xf32>
      %transpose3A = tpu.transpose %get3A_100, [1, 0] : vector<4096x128xf32> -> vector<128x4096xf32>
      %mul3A_101 = arith.constant 2.000000e+00 : f32
      %mul3A_102 = vector.broadcast %mul3A_101 : f32 to vector<128x4096xf32>
      %mul3A_103 = arith.mulf %mul3A_102, %transpose3A : vector<128x4096xf32>
      %convert_element_type3A_104 = arith.truncf %mul3A_103 : vector<128x4096xf32> to vector<128x4096xbf16>
      %swap3A_105 = arith.constant 0 : index
      %swap3A_106 = arith.constant 0 : index
      %swap3A_107 = vector.load %arg22[%swap3A_105, %swap3A_106] : memref<128x4096xbf16, #tpu.memory_space<vmem>>, vector<128x4096xbf16>
      tpu.vector_store %arg22[%swap3A_105, %swap3A_106], %convert_element_type3A_104 {strides = array<i32>} : memref<128x4096xbf16, #tpu.memory_space<vmem>>, vector<128x4096xbf16>,
      %mul3A_108 = arith.mulf %mul3A_103, %mul3A_103 : vector<128x4096xf32>
      %reduce_sum3A_109 = arith.constant dense<0.000000e+00> : vector<4096xf32>
      %reduce_sum3A_110 = vector.multi_reduction <add>, %mul3A_108, %reduce_sum3A_109 [0] : vector<128x4096xf32> to vector<4096xf32>
      %broadcast_in_dim3A = vector.shape_cast %reduce_sum3A_110 : vector<4096xf32> to vector<1x4096xf32>
      %mul3A_111 = arith.constant 2.500000e-01 : f32
      %mul3A_112 = vector.broadcast %mul3A_111 : f32 to vector<1x4096xf32>
      %mul3A_113 = arith.mulf %mul3A_112, %broadcast_in_dim3A : vector<1x4096xf32>
      %sub3A_114 = arith.constant 1.000000e+00 : f32
      %sub3A_115 = vector.broadcast %sub3A_114 : f32 to vector<1x4096xf32>
      %sub3A_116 = arith.subf %sub3A_115, %mul3A_113 : vector<1x4096xf32>
      %swap3A_117 = arith.constant 0 : index
      %swap3A_118 = arith.constant 0 : index
      %swap3A_119 = vector.load %arg23[%swap3A_117, %swap3A_118] : memref<1x4096xf32, #tpu.memory_space<vmem>>, vector<1x4096xf32>
      tpu.vector_store %arg23[%swap3A_117, %swap3A_118], %sub3A_116 {strides = array<i32>} : memref<1x4096xf32, #tpu.memory_space<vmem>>, vector<1x4096xf32>,
      %iota3A = tpu.iota {dimensions = array<i32: 1>} : vector<1x4096xi32>
      %swap3A_120 = arith.constant 0 : index
      %swap3A_121 = arith.constant 0 : index
      %swap3A_122 = vector.load %arg24[%swap3A_120, %swap3A_121] : memref<1x4096xi32, #tpu.memory_space<vmem>>, vector<1x4096xi32>
      tpu.vector_store %arg24[%swap3A_120, %swap3A_121], %iota3A {strides = array<i32>} : memref<1x4096xi32, #tpu.memory_space<vmem>>, vector<1x4096xi32>,
      %get3A_123 = arith.constant 0 : index
      %get3A_124 = arith.constant 0 : index
      %get3A_125 = vector.load %arg11[%get3A_123, %get3A_124] : memref<16x128xf32, #tpu.memory_space<vmem>>, vector<16x128xf32>
      %dot_general3A_126 = arith.constant dense<0.000000e+00> : vector<4096x16xf32>
      %dot_general3A_127 = tpu.matmul %get3A_100, %get3A_125, %dot_general3A_126 {dimension_numbers = #tpu.dot_dimension_numbers<[1], [1], [0], [0], [0, 0, 1, 0], [], []>, transpose_lhs_hint = false} : vector<4096x128xf32>, vector<16x128xf32>, vector<4096x16xf32> -> vector<4096x16xf32>
      %get3A_128 = arith.constant 0 : index
      %get3A_129 = arith.constant 0 : index
      %get3A_130 = vector.load %arg12[%get3A_128, %get3A_129] : memref<1x16xf32, #tpu.memory_space<vmem>>, vector<1x16xf32>
      %add3A_131 = vector.broadcast %get3A_130 : vector<1x16xf32> to vector<4096x16xf32>
      %add3A_132 = arith.addf %dot_general3A_127, %add3A_131 : vector<4096x16xf32>
      %max3A_133 = arith.constant 0.000000e+00 : f32
      %max3A_134 = vector.broadcast %max3A_133 : f32 to vector<4096x16xf32>
      %max3A_135 = arith.maximumf %add3A_132, %max3A_134 : vector<4096x16xf32>
      %get3A_136 = arith.constant 0 : index
      %get3A_137 = arith.constant 0 : index
      %get3A_138 = vector.load %arg13[%get3A_136, %get3A_137] : memref<32x16xf32, #tpu.memory_space<vmem>>, vector<32x16xf32>
      %dot_general3A_139 = arith.constant dense<0.000000e+00> : vector<4096x32xf32>
      %dot_general3A_140 = tpu.matmul %max3A_135, %get3A_138, %dot_general3A_139 {dimension_numbers = #tpu.dot_dimension_numbers<[1], [1], [0], [0], [0, 0, 1, 0], [], []>, transpose_lhs_hint = false} : vector<4096x16xf32>, vector<32x16xf32>, vector<4096x32xf32> -> vector<4096x32xf32>
      %get3A_141 = arith.constant 0 : index
      %get3A_142 = arith.constant 0 : index
      %get3A_143 = vector.load %arg14[%get3A_141, %get3A_142] : memref<1x32xf32, #tpu.memory_space<vmem>>, vector<1x32xf32>
      %add3A_144 = vector.broadcast %get3A_143 : vector<1x32xf32> to vector<4096x32xf32>
      %add3A_145 = arith.addf %dot_general3A_140, %add3A_144 : vector<4096x32xf32>
      %max3A_146 = arith.constant 0.000000e+00 : f32
      %max3A_147 = vector.broadcast %max3A_146 : f32 to vector<4096x32xf32>
      %max3A_148 = arith.maximumf %add3A_145, %max3A_147 : vector<4096x32xf32>
      %get3A_149 = arith.constant 0 : index
      %get3A_150 = arith.constant 0 : index
      %get3A_151 = vector.load %arg15[%get3A_149, %get3A_150] : memref<16x32xf32, #tpu.memory_space<vmem>>, vector<16x32xf32>
      %dot_general3A_152 = arith.constant dense<0.000000e+00> : vector<4096x16xf32>
      %dot_general3A_153 = tpu.matmul %max3A_148, %get3A_151, %dot_general3A_152 {dimension_numbers = #tpu.dot_dimension_numbers<[1], [1], [0], [0], [0, 0, 1, 0], [], []>, transpose_lhs_hint = false} : vector<4096x32xf32>, vector<16x32xf32>, vector<4096x16xf32> -> vector<4096x16xf32>
      %get3A_154 = arith.constant 0 : index
      %get3A_155 = arith.constant 0 : index
      %get3A_156 = vector.load %arg16[%get3A_154, %get3A_155] : memref<1x16xf32, #tpu.memory_space<vmem>>, vector<1x16xf32>
      %add3A_157 = vector.broadcast %get3A_156 : vector<1x16xf32> to vector<4096x16xf32>
      %add3A_158 = arith.addf %dot_general3A_153, %add3A_157 : vector<4096x16xf32>
      %max3A_159 = arith.constant 0.000000e+00 : f32
      %max3A_160 = vector.broadcast %max3A_159 : f32 to vector<4096x16xf32>
      %max3A_161 = arith.maximumf %add3A_158, %max3A_160 : vector<4096x16xf32>
      %get3A_162 = arith.constant 0 : index
      %get3A_163 = arith.constant 0 : index
      %get3A_164 = vector.load %arg17[%get3A_162, %get3A_163] : memref<16x16xf32, #tpu.memory_space<vmem>>, vector<16x16xf32>
      %dot_general3A_165 = arith.constant dense<0.000000e+00> : vector<4096x16xf32>
      %dot_general3A_166 = tpu.matmul %max3A_161, %get3A_164, %dot_general3A_165 {dimension_numbers = #tpu.dot_dimension_numbers<[1], [1], [0], [0], [0, 0, 1, 0], [], []>, transpose_lhs_hint = false} : vector<4096x16xf32>, vector<16x16xf32>, vector<4096x16xf32> -> vector<4096x16xf32>
      %get3A_167 = arith.constant 0 : index
      %get3A_168 = arith.constant 0 : index
      %get3A_169 = vector.load %arg18[%get3A_167, %get3A_168] : memref<1x16xf32, #tpu.memory_space<vmem>>, vector<1x16xf32>
      %add3A_170 = vector.broadcast %get3A_169 : vector<1x16xf32> to vector<4096x16xf32>
      %add3A_171 = arith.addf %dot_general3A_166, %add3A_170 : vector<4096x16xf32>
      %swap3A_172 = arith.constant 0 : index
      %swap3A_173 = arith.constant 0 : index
      %swap3A_174 = vector.load %arg21[%swap3A_172, %swap3A_173] : memref<4096x16xf32, #tpu.memory_space<vmem>>, vector<4096x16xf32>
      tpu.vector_store %arg21[%swap3A_172, %swap3A_173], %add3A_171 {strides = array<i32>} : memref<4096x16xf32, #tpu.memory_space<vmem>>, vector<4096x16xf32>,
      %broadcast_in_dim3A_175 = arith.constant 0.000000e+00 : f32
      %broadcast_in_dim3A_176 = vector.broadcast %broadcast_in_dim3A_175 : f32 to vector<1x1xf32>
      %swap3A_177 = arith.constant 0 : index
      %swap3A_178 = arith.constant 0 : index
      %swap3A_179 = vector.load %arg20[%swap3A_177, %swap3A_178] : memref<1x1xf32, #tpu.memory_space<vmem>>, vector<1x1xf32>
      tpu.vector_store %arg20[%swap3A_177, %swap3A_178], %broadcast_in_dim3A_176 {strides = array<i32>} : memref<1x1xf32, #tpu.memory_space<vmem>>, vector<1x1xf32>,
    } else {
    }
    %get3A = arith.constant 0 : index
    %get3A_2 = arith.constant 0 : index
    %get3A_3 = vector.load %arg1[%get3A, %get3A_2] : memref<2048x16xf32, #tpu.memory_space<vmem>>, vector<2048x16xf32>
    %get3A_4 = arith.constant 0 : index
    %get3A_5 = arith.constant 0 : index
    %get3A_6 = vector.load %arg3[%get3A_4, %get3A_5] : memref<16x16xf32, #tpu.memory_space<vmem>>, vector<16x16xf32>
    %dot_general3A = arith.constant dense<0.000000e+00> : vector<2048x16xf32>
    %dot_general3A_7 = tpu.matmul %get3A_3, %get3A_6, %dot_general3A {dimension_numbers = #tpu.dot_dimension_numbers<[1], [1], [0], [0], [0, 0, 1, 0], [], []>, transpose_lhs_hint = false} : vector<2048x16xf32>, vector<16x16xf32>, vector<2048x16xf32> -> vector<2048x16xf32>
    %get3A_8 = arith.constant 0 : index
    %get3A_9 = arith.constant 0 : index
    %get3A_10 = vector.load %arg4[%get3A_8, %get3A_9] : memref<1x16xf32, #tpu.memory_space<vmem>>, vector<1x16xf32>
    %add3A = vector.broadcast %get3A_10 : vector<1x16xf32> to vector<2048x16xf32>
    %add3A_11 = arith.addf %dot_general3A_7, %add3A : vector<2048x16xf32>
    %max3A = arith.constant 0.000000e+00 : f32
    %max3A_12 = vector.broadcast %max3A : f32 to vector<2048x16xf32>
    %max3A_13 = arith.maximumf %add3A_11, %max3A_12 : vector<2048x16xf32>
    %get3A_14 = arith.constant 0 : index
    %get3A_15 = arith.constant 0 : index
    %get3A_16 = vector.load %arg5[%get3A_14, %get3A_15] : memref<32x16xf32, #tpu.memory_space<vmem>>, vector<32x16xf32>
    %dot_general3A_17 = arith.constant dense<0.000000e+00> : vector<2048x32xf32>
    %dot_general3A_18 = tpu.matmul %max3A_13, %get3A_16, %dot_general3A_17 {dimension_numbers = #tpu.dot_dimension_numbers<[1], [1], [0], [0], [0, 0, 1, 0], [], []>, transpose_lhs_hint = false} : vector<2048x16xf32>, vector<32x16xf32>, vector<2048x32xf32> -> vector<2048x32xf32>
    %get3A_19 = arith.constant 0 : index
    %get3A_20 = arith.constant 0 : index
    %get3A_21 = vector.load %arg6[%get3A_19, %get3A_20] : memref<1x32xf32, #tpu.memory_space<vmem>>, vector<1x32xf32>
    %add3A_22 = vector.broadcast %get3A_21 : vector<1x32xf32> to vector<2048x32xf32>
    %add3A_23 = arith.addf %dot_general3A_18, %add3A_22 : vector<2048x32xf32>
    %max3A_24 = arith.constant 0.000000e+00 : f32
    %max3A_25 = vector.broadcast %max3A_24 : f32 to vector<2048x32xf32>
    %max3A_26 = arith.maximumf %add3A_23, %max3A_25 : vector<2048x32xf32>
    %get3A_27 = arith.constant 0 : index
    %get3A_28 = arith.constant 0 : index
    %get3A_29 = vector.load %arg7[%get3A_27, %get3A_28] : memref<16x32xf32, #tpu.memory_space<vmem>>, vector<16x32xf32>
    %dot_general3A_30 = arith.constant dense<0.000000e+00> : vector<2048x16xf32>
    %dot_general3A_31 = tpu.matmul %max3A_26, %get3A_29, %dot_general3A_30 {dimension_numbers = #tpu.dot_dimension_numbers<[1], [1], [0], [0], [0, 0, 1, 0], [], []>, transpose_lhs_hint = false} : vector<2048x32xf32>, vector<16x32xf32>, vector<2048x16xf32> -> vector<2048x16xf32>
    %get3A_32 = arith.constant 0 : index
    %get3A_33 = arith.constant 0 : index
    %get3A_34 = vector.load %arg8[%get3A_32, %get3A_33] : memref<1x16xf32, #tpu.memory_space<vmem>>, vector<1x16xf32>
    %add3A_35 = vector.broadcast %get3A_34 : vector<1x16xf32> to vector<2048x16xf32>
    %add3A_36 = arith.addf %dot_general3A_31, %add3A_35 : vector<2048x16xf32>
    %max3A_37 = arith.constant 0.000000e+00 : f32
    %max3A_38 = vector.broadcast %max3A_37 : f32 to vector<2048x16xf32>
    %max3A_39 = arith.maximumf %add3A_36, %max3A_38 : vector<2048x16xf32>
    %get3A_40 = arith.constant 0 : index
    %get3A_41 = arith.constant 0 : index
    %get3A_42 = vector.load %arg9[%get3A_40, %get3A_41] : memref<128x16xf32, #tpu.memory_space<vmem>>, vector<128x16xf32>
    %dot_general3A_43 = arith.constant dense<0.000000e+00> : vector<2048x128xf32>
    %dot_general3A_44 = tpu.matmul %max3A_39, %get3A_42, %dot_general3A_43 {dimension_numbers = #tpu.dot_dimension_numbers<[1], [1], [0], [0], [0, 0, 1, 0], [], []>, transpose_lhs_hint = false} : vector<2048x16xf32>, vector<128x16xf32>, vector<2048x128xf32> -> vector<2048x128xf32>
    %get3A_45 = arith.constant 0 : index
    %get3A_46 = arith.constant 0 : index
    %get3A_47 = vector.load %arg10[%get3A_45, %get3A_46] : memref<1x128xf32, #tpu.memory_space<vmem>>, vector<1x128xf32>
    %add3A_48 = vector.broadcast %get3A_47 : vector<1x128xf32> to vector<2048x128xf32>
    %add3A_49 = arith.addf %dot_general3A_44, %add3A_48 : vector<2048x128xf32>
    %convert_element_type3A_50 = arith.truncf %add3A_49 : vector<2048x128xf32> to vector<2048x128xbf16>
    %get3A_51 = arith.constant 0 : index
    %get3A_52 = arith.constant 0 : index
    %get3A_53 = vector.load %arg22[%get3A_51, %get3A_52] : memref<128x4096xbf16, #tpu.memory_space<vmem>>, vector<128x4096xbf16>
    %dot_general3A_54 = arith.constant dense<0.000000e+00> : vector<2048x4096xf32>
    %dot_general3A_55 = tpu.matmul %convert_element_type3A_50, %get3A_53, %dot_general3A_54 {dimension_numbers = #tpu.dot_dimension_numbers<[1], [0], [0], [1], [0, 0, 1, 1], [], []>, transpose_lhs_hint = false} : vector<2048x128xbf16>, vector<128x4096xbf16>, vector<2048x4096xf32> -> vector<2048x4096xf32>
    %get3A_56 = arith.constant 0 : index
    %get3A_57 = arith.constant 0 : index
    %get3A_58 = vector.load %arg23[%get3A_56, %get3A_57] : memref<1x4096xf32, #tpu.memory_space<vmem>>, vector<1x4096xf32>
    %add3A_59 = vector.broadcast %get3A_58 : vector<1x4096xf32> to vector<2048x4096xf32>
    %add3A_60 = arith.addf %dot_general3A_55, %add3A_59 : vector<2048x4096xf32>
    %bitcast_convert_type3A = tpu.bitcast %add3A_60 : vector<2048x4096xf32> -> vector<2048x4096xi32>
    %and3A = arith.constant -4096 : i32
    %and3A_61 = vector.broadcast %and3A : i32 to vector<2048x4096xi32>
    %and3A_62 = arith.andi %bitcast_convert_type3A, %and3A_61 : vector<2048x4096xi32>
    %get3A_63 = arith.constant 0 : index
    %get3A_64 = arith.constant 0 : index
    %get3A_65 = vector.load %arg24[%get3A_63, %get3A_64] : memref<1x4096xi32, #tpu.memory_space<vmem>>, vector<1x4096xi32>
    %or3A = vector.broadcast %get3A_65 : vector<1x4096xi32> to vector<2048x4096xi32>
    %or3A_66 = arith.ori %and3A_62, %or3A : vector<2048x4096xi32>
    %bitcast_convert_type3A_67 = tpu.bitcast %or3A_66 : vector<2048x4096xi32> -> vector<2048x4096xf32>
    %reduce_max3A = arith.constant dense<0xFF800000> : vector<2048xf32>
    %reduce_max3A_68 = vector.multi_reduction <maximumf>, %bitcast_convert_type3A_67, %reduce_max3A [1] : vector<2048x4096xf32> to vector<2048xf32>
    %bitcast_convert_type3A_69 = tpu.bitcast %reduce_max3A_68 : vector<2048xf32> -> vector<2048xi32>
    %and3A_70 = arith.constant 4095 : i32
    %and3A_71 = vector.broadcast %and3A_70 : i32 to vector<2048xi32>
    %and3A_72 = arith.andi %bitcast_convert_type3A_69, %and3A_71 : vector<2048xi32>
    %swap3A = arith.constant 0 : index
    %swap3A_73 = vector.load %arg19[%swap3A] : memref<2048xi32, #tpu.memory_space<vmem>>, vector<2048xi32>
    tpu.vector_store %arg19[%swap3A], %and3A_72 {strides = array<i32>} : memref<2048xi32, #tpu.memory_space<vmem>>, vector<2048xi32>,
    %and3A_74 = arith.constant -4096 : i32
    %and3A_75 = vector.broadcast %and3A_74 : i32 to vector<2048xi32>
    %and3A_76 = arith.andi %bitcast_convert_type3A_69, %and3A_75 : vector<2048xi32>
    %bitcast_convert_type3A_77 = tpu.bitcast %and3A_76 : vector<2048xi32> -> vector<2048xf32>
    %sub3A = arith.constant 1.000000e+00 : f32
    %sub3A_78 = vector.broadcast %sub3A : f32 to vector<2048xf32>
    %sub3A_79 = arith.subf %bitcast_convert_type3A_77, %sub3A_78 : vector<2048xf32>
    %mul3A = arith.mulf %add3A_49, %add3A_49 : vector<2048x128xf32>
    %reduce_sum3A = vector.shape_cast %mul3A : vector<2048x128xf32> to vector<1x2048x128xf32>
    %reduce_sum3A_80 = arith.constant dense<0.000000e+00> : vector<1xf32>
    %reduce_sum3A_81 = vector.multi_reduction <add>, %reduce_sum3A, %reduce_sum3A_80 [1, 2] : vector<1x2048x128xf32> to vector<1xf32>
    %reduce_sum3A_82 = vector.shape_cast %reduce_sum3A_81 : vector<1xf32> to vector<1x1x1xf32>
    %reduce_sum3A_83 = vector.extract %reduce_sum3A_82[0, 0, 0] : f32 from vector<1x1x1xf32>
    %reduce_sum3A_84 = vector.shape_cast %sub3A_79 : vector<2048xf32> to vector<1x2048xf32>
    %reduce_sum3A_85 = arith.constant dense<0.000000e+00> : vector<1xf32>
    %reduce_sum3A_86 = vector.multi_reduction <add>, %reduce_sum3A_84, %reduce_sum3A_85 [1] : vector<1x2048xf32> to vector<1xf32>
    %reduce_sum3A_87 = vector.shape_cast %reduce_sum3A_86 : vector<1xf32> to vector<1x1xf32>
    %reduce_sum3A_88 = vector.extract %reduce_sum3A_87[0, 0] : f32 from vector<1x1xf32>
    %sub3A_89 = arith.subf %reduce_sum3A_83, %reduce_sum3A_88 : f32
    %get3A_90 = arith.constant 0 : index
    %get3A_91 = arith.constant 0 : index
    %get3A_92 = vector.load %arg20[%get3A_90, %get3A_91] : memref<1x1xf32, #tpu.memory_space<vmem>>, vector<1x1xf32>
    %add3A_93 = vector.broadcast %sub3A_89 : f32 to vector<1x1xf32>
    %add3A_94 = arith.addf %get3A_92, %add3A_93 : vector<1x1xf32>
    %swap3A_95 = arith.constant 0 : index
    %swap3A_96 = arith.constant 0 : index
    %swap3A_97 = vector.load %arg20[%swap3A_95, %swap3A_96] : memref<1x1xf32, #tpu.memory_space<vmem>>, vector<1x1xf32>
    tpu.vector_store %arg20[%swap3A_95, %swap3A_96], %add3A_94 {strides = array<i32>} : memref<1x1xf32, #tpu.memory_space<vmem>>, vector<1x1xf32>,
    return
  }
  func.func @transform_0(%arg0: i32) -> (i32, i32) {
    %c0_i32 = arith.constant 0 : i32
    %c0_i32_0 = arith.constant 0 : i32
    return %arg0, %c0_i32 : i32, i32
  }
  func.func @transform_1(%arg0: i32) -> (i32, i32) {
    %c0_i32 = arith.constant 0 : i32
    %c0_i32_0 = arith.constant 0 : i32
    %c0_i32_1 = arith.constant 0 : i32
    return %c0_i32, %c0_i32_0 : i32, i32
  }
  func.func @transform_2(%arg0: i32) -> (i32, i32) {
    %c0_i32 = arith.constant 0 : i32
    %c0_i32_0 = arith.constant 0 : i32
    %c0_i32_1 = arith.constant 0 : i32
    return %c0_i32, %c0_i32_0 : i32, i32
  }
  func.func @transform_3(%arg0: i32) -> (i32, i32) {
    %c0_i32 = arith.constant 0 : i32
    %c0_i32_0 = arith.constant 0 : i32
    %c0_i32_1 = arith.constant 0 : i32
    return %c0_i32, %c0_i32_0 : i32, i32
  }
  func.func @transform_4(%arg0: i32) -> (i32, i32) {
    %c0_i32 = arith.constant 0 : i32
    %c0_i32_0 = arith.constant 0 : i32
    %c0_i32_1 = arith.constant 0 : i32
    return %c0_i32, %c0_i32_0 : i32, i32
  }
  func.func @transform_5(%arg0: i32) -> (i32, i32) {
    %c0_i32 = arith.constant 0 : i32
    %c0_i32_0 = arith.constant 0 : i32
    %c0_i32_1 = arith.constant 0 : i32
    return %c0_i32, %c0_i32_0 : i32, i32
  }
  func.func @transform_6(%arg0: i32) -> (i32, i32) {
    %c0_i32 = arith.constant 0 : i32
    %c0_i32_0 = arith.constant 0 : i32
    %c0_i32_1 = arith.constant 0 : i32
    return %c0_i32, %c0_i32_0 : i32, i32
  }
  func.func @transform_7(%arg0: i32) -> (i32, i32) {
    %c0_i32 = arith.constant 0 : i32
    %c0_i32_0 = arith.constant 0 : i32
    %c0_i32_1 = arith.constant 0 : i32
    return %c0_i32, %c0_i32_0 : i32, i32
  }
  func.func @transform_8(%arg0: i32) -> (i32, i32) {
    %c0_i32 = arith.constant 0 : i32
    %c0_i32_0 = arith.constant 0 : i32
    %c0_i32_1 = arith.constant 0 : i32
    return %c0_i32, %c0_i32_0 : i32, i32
  }
  func.func @transform_9(%arg0: i32) -> (i32, i32) {
    %c0_i32 = arith.constant 0 : i32
    %c0_i32_0 = arith.constant 0 : i32
    %c0_i32_1 = arith.constant 0 : i32
    return %c0_i32, %c0_i32_0 : i32, i32
  }
  func.func @transform_10(%arg0: i32) -> (i32, i32) {
    %c0_i32 = arith.constant 0 : i32
    %c0_i32_0 = arith.constant 0 : i32
    %c0_i32_1 = arith.constant 0 : i32
    return %c0_i32, %c0_i32_0 : i32, i32
  }
  func.func @transform_11(%arg0: i32) -> (i32, i32) {
    %c0_i32 = arith.constant 0 : i32
    %c0_i32_0 = arith.constant 0 : i32
    %c0_i32_1 = arith.constant 0 : i32
    return %c0_i32, %c0_i32_0 : i32, i32
  }
  func.func @transform_12(%arg0: i32) -> (i32, i32) {
    %c0_i32 = arith.constant 0 : i32
    %c0_i32_0 = arith.constant 0 : i32
    %c0_i32_1 = arith.constant 0 : i32
    return %c0_i32, %c0_i32_0 : i32, i32
  }
  func.func @transform_13(%arg0: i32) -> (i32, i32) {
    %c0_i32 = arith.constant 0 : i32
    %c0_i32_0 = arith.constant 0 : i32
    %c0_i32_1 = arith.constant 0 : i32
    return %c0_i32, %c0_i32_0 : i32, i32
  }
  func.func @transform_14(%arg0: i32) -> (i32, i32) {
    %c0_i32 = arith.constant 0 : i32
    %c0_i32_0 = arith.constant 0 : i32
    %c0_i32_1 = arith.constant 0 : i32
    return %c0_i32, %c0_i32_0 : i32, i32
  }
  func.func @transform_15(%arg0: i32) -> (i32, i32) {
    %c0_i32 = arith.constant 0 : i32
    %c0_i32_0 = arith.constant 0 : i32
    %c0_i32_1 = arith.constant 0 : i32
    return %c0_i32, %c0_i32_0 : i32, i32
  }
  func.func @transform_16(%arg0: i32) -> (i32, i32) {
    %c0_i32 = arith.constant 0 : i32
    %c0_i32_0 = arith.constant 0 : i32
    %c0_i32_1 = arith.constant 0 : i32
    return %c0_i32, %c0_i32_0 : i32, i32
  }
  func.func @transform_17(%arg0: i32) -> (i32, i32) {
    %c0_i32 = arith.constant 0 : i32
    %c0_i32_0 = arith.constant 0 : i32
    %c0_i32_1 = arith.constant 0 : i32
    return %c0_i32, %c0_i32_0 : i32, i32
  }
  func.func @transform_18(%arg0: i32) -> i32 {
    %c0_i32 = arith.constant 0 : i32
    return %arg0 : i32
  }
  func.func @transform_19(%arg0: i32) -> (i32, i32) {
    %c0_i32 = arith.constant 0 : i32
    %c0_i32_0 = arith.constant 0 : i32
    %c0_i32_1 = arith.constant 0 : i32
    return %c0_i32, %c0_i32_0 : i32, i32
  }
  func.func @transform_20(%arg0: i32) -> (i32, i32) {
    %c0_i32 = arith.constant 0 : i32
    %c0_i32_0 = arith.constant 0 : i32
    %c0_i32_1 = arith.constant 0 : i32
    return %c0_i32, %c0_i32_0 : i32, i32
  }
}

module attributes {stable_mosaic.version = 14 : i64} {
  func.func @_final_body(%arg0: memref<1x1xf32, #tpu.memory_space<vmem>>, %arg1: memref<32x128xf32, #tpu.memory_space<vmem>>, %arg2: memref<1x1xf32, #tpu.memory_space<vmem>>) attributes {dimension_semantics = [], scalar_prefetch = 0 : i64, scratch_operands = 0 : i64, tpu.core_type = #tpu.core_type<tc>} {
    %get3A = arith.constant 0 : index
    %get3A_0 = arith.constant 0 : index
    %get3A_1 = vector.load %arg1[%get3A, %get3A_0] : memref<32x128xf32, #tpu.memory_space<vmem>>, vector<32x16xf32>
    %reduce_sum3A = vector.shape_cast %get3A_1 : vector<32x16xf32> to vector<1x32x16xf32>
    %reduce_sum3A_2 = arith.constant dense<0.000000e+00> : vector<1xf32>
    %reduce_sum3A_3 = vector.multi_reduction <add>, %reduce_sum3A, %reduce_sum3A_2 [1, 2] : vector<1x32x16xf32> to vector<1xf32>
    %reduce_sum3A_4 = vector.shape_cast %reduce_sum3A_3 : vector<1xf32> to vector<1x1x1xf32>
    %reduce_sum3A_5 = vector.extract %reduce_sum3A_4[0, 0, 0] : f32 from vector<1x1x1xf32>
    %get3A_6 = arith.constant 0 : index
    %get3A_7 = arith.constant 0 : index
    %get3A_8 = vector.load %arg0[%get3A_6, %get3A_7] : memref<1x1xf32, #tpu.memory_space<vmem>>, vector<1x1xf32>
    %mul3A = arith.constant 2.000000e+00 : f32
    %mul3A_9 = vector.broadcast %mul3A : f32 to vector<1x1xf32>
    %mul3A_10 = arith.mulf %mul3A_9, %get3A_8 : vector<1x1xf32>
    %mul3A_11 = arith.constant 5.000000e+00 : f32
    %mul3A_12 = arith.mulf %mul3A_11, %reduce_sum3A_5 : f32
    %sub3A = arith.constant 9517.2207 : f32
    %sub3A_13 = arith.subf %mul3A_12, %sub3A : f32
    %add3A = vector.broadcast %sub3A_13 : f32 to vector<1x1xf32>
    %add3A_14 = arith.addf %mul3A_10, %add3A : vector<1x1xf32>
    %swap3A = arith.constant 0 : index
    %swap3A_15 = arith.constant 0 : index
    %swap3A_16 = vector.load %arg2[%swap3A, %swap3A_15] : memref<1x1xf32, #tpu.memory_space<vmem>>, vector<1x1xf32>
    tpu.vector_store %arg2[%swap3A, %swap3A_15], %add3A_14 {strides = array<i32>} : memref<1x1xf32, #tpu.memory_space<vmem>>, vector<1x1xf32>,
    return
  }
}

</mosaic_0001>

<sc_bundles>
// kernel: kernel.5.cloned.1.call-start
scs
__scs_entry_jumppad:
0x0: {  	(pc) =	sbr.rel $0x88, $3  }
0x1: {  	(tag) =	ssettag $0x0;
	lr =	simm.s32 $0x1  }
0x2: {  	[smem:$0x3F8F] =	sst lr;
	_ =	strace $0xD0000000  }
0x3: {  	_ = 	snop  }
0x4: {  	_ = 	snop  }
0x5: {  	_ = 	snop  }
0x6: {  	_ = 	snop  }
0x7: {  	_ = 	snop  }
__scs_overlays_trampoline_lowered:
0x8: {  	[smem:$0x3F9E] =	sst s0  }
0x9: {  	[smem:$0x3F9F] =	sst s1  }
0xa: {  	[smem:$0x3FA0] =	sst s2  }
0xb: {  	[smem:$0x3FA1] =	sst s3  }
0xc: {  	[smem:$0x3FA2] =	sst s4  }
0xd: {  	[smem:$0x3FA3] =	sst s5  }
0xe: {  	[smem:$0x3FA4] =	sst s6  }
0xf: {  	[smem:$0x3FA5] =	sst s7  }
0x10: {  	[smem:$0x3FA6] =	sst s8  }
0x11: {  	[smem:$0x3FA7] =	sst s9;
	s0 =	simm.s32 @!p0 $0x0  }
0x12: {  	s1 =	sld [smem:$0x3F8D];
	s0 =	simm.s32 @p0 $0x1  }
0x13: {  	[smem:$0x3FA8] =	sst s0;
	s0 =	simm.s32 @!p1 $0x0  }
0x14: {  	s2 =	sld [smem:$0x3F8C];
	s0 =	simm.s32 @p1 $0x1  }
0x15: {  	[smem:$0x3FA9] =	sst s0;
	s0 =	simm.s32 @!p2 $0x0  }
0x16: {  	s3 =	sld [smem:$0x3FDB];
	s0 =	simm.s32 @p2 $0x1  }
0x17: {  	s4 =	simm.s32 $0x1BF5;
	[smem:$0x3FAB] =	sst s0  }
0x18: {  	s0 =	sld [smem:$0x3F8E];
	_ =	swait.ge [sflag:s4], $0x0  }
0x19: {  	s7 =	sld [smem:$0x3F8F]  }
0x1a: {  	s8 =	sadd.s32 $0xFFFFE003, lr  }
0x1b: {  	s9 =	sadd.s32 $0xFFFFFEF7, lr;
	s5 =	simm.s32 $0xFFFFFFFF;
	p2 =	slt.u32 s8, $0xFFFFF086  }
0x1c: {  	p1 =	slt.u32 s9, $0xF7A;
	s5 =	simm.s32 @!p2 $0x0  }
0x1d: {  	s5 =	simm.s32 @p1 $0x1;
	p0 =	seq.s32 s7, s2  }
0x1e: {  	s7 =	smul.u32 @!p0 $0xF7A, s2;
	p2 =	seq.s32 @!p0 s5, $0x0  }
0x1f: {  	s9 =	smul.u32 $0xF7A, s1;
	s8 =	simm.s32 @!p0 $0x1BF5;
	p2 =	por !p2, p0  }
0x20: {  	[sflag:s8] =	ssyncset.s32 @!p0 $0xFFFFF086;
	s6 =	sadd.s32 @!p0 s3, s7;
	s7 =	simm.s32 @!p0 $0x108  }
0x21: {  	s3 =	sadd.s32 s3, s9;
	s6 =	sadd.s32 @!p0 $0x88, s6;
	s7 =	simm.s32 @p2 $0x1082  }
0x22: {  	[simem:s7], [sflag:s8] =	dma.local @!p0 [hbm:s6], $0xF7A  }
0x23: {  	s9 =	sor.u32 $0xD0000000, s2;
	s6 =	simm.s32 $0x108;
	_ =	swait.ge @!p0 [sflag:s8], $0x0  }
0x24: {  	s3 =	sadd.s32 $0x88, s3;
	s6 =	simm.s32 @!p1 $0x1082;
	[sflag:s4] =	ssyncset.s32 $0xFFFFF086  }
0x25: {  	[simem:s6], [sflag:s4] =	dma.local [hbm:s3], $0xF7A  }
0x26: {  	[smem:$0x3F8F] =	sst s1;
	(tag) =	ssettag s2;
	_ =	strace s9  }
0x27: {  	s1 =	sld [smem:$0x3F9F]  }
0x28: {  	s2 =	sld [smem:$0x3FA0]  }
0x29: {  	s4 =	sld [smem:$0x3FA2]  }
0x2a: {  	p0 =	seq.s32 s5, $0x0;
	s5 =	sld [smem:$0x3FA3]  }
0x2b: {  	s6 =	sld [smem:$0x3FA4]  }
0x2c: {  	s7 =	sld [smem:$0x3FA5]  }
0x2d: {  	s3 =	simm.s32 $0x108;
	s8 =	sld [smem:$0x3FA6]  }
0x2e: {  	s3 =	simm.s32 @!p0 $0x1082;
	s9 =	sld [smem:$0x3FA7]  }
0x2f: {  	lr =	sadd.s32 s0, s3;
	s0 =	sld [smem:$0x3F9E]  }
0x30: {  	s3 =	sld [smem:$0x3FA1]  }
0x31: {  	[smem:$0x3FAA] =	sst s10  }
0x32: {  	s10 =	sld [smem:$0x3FA8];
	_ =	sdelay $0x3  }
0x33: {  	p0 =	seq.s32 s10, $0x1;
	s10 =	sld [smem:$0x3FAA];
	_ =	sdelay $0x3  }
0x34: {  	[smem:$0x3FAA] =	sst s10  }
0x35: {  	s10 =	sld [smem:$0x3FA9];
	_ =	sdelay $0x3  }
0x36: {  	p1 =	seq.s32 s10, $0x1;
	s10 =	sld [smem:$0x3FAA];
	_ =	sdelay $0x3  }
0x37: {  	[smem:$0x3FAA] =	sst s10  }
0x38: {  	s10 =	sld [smem:$0x3FAB]  }
0x39: {  	_ = 	snop;
	(pc) =	sbr.ind lr, $3  }
0x3a: {  	_ = 	snop  }
0x3b: {  	_ = 	snop  }
0x3c: {  	p2 =	seq.s32 s10, $0x1;
	s10 =	sld [smem:$0x3FAA]  }
0x3d: {  	_ =	shalt  }
0x3e: {  	_ =	shalt  }
0x3f: {  	_ =	shalt  }
0x40: {  	_ =	shalt  }
0x41: {  	_ =	shalt  }
0x42: {  	_ =	shalt  }
0x43: {  	_ =	shalt  }
0x44: {  	_ =	shalt  }
0x45: {  	_ =	shalt  }
0x46: {  	_ =	shalt  }
0x47: {  	_ =	shalt  }
0x48: {  	_ =	shalt  }
0x49: {  	_ =	shalt  }
0x4a: {  	_ =	shalt  }
0x4b: {  	_ =	shalt  }
0x4c: {  	_ =	shalt  }
0x4d: {  	_ =	shalt  }
0x4e: {  	_ =	shalt  }
0x4f: {  	_ =	shalt  }
0x50: {  	_ =	shalt  }
0x51: {  	_ =	shalt  }
0x52: {  	_ =	shalt  }
0x53: {  	_ =	shalt  }
0x54: {  	_ =	shalt  }
0x55: {  	_ =	shalt  }
0x56: {  	_ =	shalt  }
0x57: {  	_ =	shalt  }
0x58: {  	_ =	shalt  }
0x59: {  	_ =	shalt  }
0x5a: {  	_ =	shalt  }
0x5b: {  	_ =	shalt  }
0x5c: {  	_ =	shalt  }
0x5d: {  	_ =	shalt  }
0x5e: {  	_ =	shalt  }
0x5f: {  	_ =	shalt  }
0x60: {  	_ =	shalt  }
0x61: {  	_ =	shalt  }
0x62: {  	_ =	shalt  }
0x63: {  	_ =	shalt  }
0x64: {  	_ =	shalt  }
0x65: {  	_ =	shalt  }
0x66: {  	_ =	shalt  }
0x67: {  	_ =	shalt  }
0x68: {  	_ =	shalt  }
0x69: {  	_ =	shalt  }
0x6a: {  	_ =	shalt  }
0x6b: {  	_ =	shalt  }
0x6c: {  	_ =	shalt  }
0x6d: {  	_ =	shalt  }
0x6e: {  	_ =	shalt  }
0x6f: {  	_ =	shalt  }
0x70: {  	_ =	shalt  }
0x71: {  	_ =	shalt  }
0x72: {  	_ =	shalt  }
0x73: {  	_ =	shalt  }
0x74: {  	_ =	shalt  }
0x75: {  	_ =	shalt  }
0x76: {  	_ =	shalt  }
0x77: {  	_ =	shalt  }
0x78: {  	_ =	shalt  }
0x79: {  	_ =	shalt  }
0x7a: {  	_ =	shalt  }
0x7b: {  	_ =	shalt  }
0x7c: {  	_ =	shalt  }
0x7d: {  	_ =	shalt  }
0x7e: {  	_ =	shalt  }
0x7f: {  	_ =	shalt  }
0x80: {  	_ =	shalt  }
0x81: {  	_ =	shalt  }
0x82: {  	_ =	shalt  }
0x83: {  	_ =	shalt  }
0x84: {  	_ =	shalt  }
0x85: {  	_ =	shalt  }
0x86: {  	_ =	shalt  }
0x87: {  	_ =	shalt  }
.Lfunc_end0:
.L_simem_size_0:
called_computation_lowered:
.L_overlay_start_0:
0x88: {  	s2 =	sld [smem:$0x3FD9]  }
0x89: {  	s3 =	sld [smem:$0x3FFE];
	_ =	sdelay $0x1  }
0x8a: {  	s1 =	srdreg.scid  }
0x8b: {  	s0 =	sand.u32 $0x1, s1  }
0x8c: {  	s16 =	sshll.u32 s0, $0xA;
	s2 =	sadd.s32 s3, s2  }
0x8d: {  	s2 =	sadd.s32 s2, s16  }
0x8e: {  	[smem:$0x3FB6] =	sst s2  }
0x8f: {  	_ = 	snop  }
0x90: {  	(tm) =	ssettm $0x1  }
0x91: {  	s17 =	sld [smem:$0x3FFB];
	_ =	sdelay $0x3  }
0x92: {  	_ =	strace s17  }
0x93: {  	s2 =	sld [smem:$0x3FFC];
	_ =	sdelay $0x3  }
0x94: {  	_ =	strace s2  }
0x95: {  	s2 =	sld [smem:$0x3FFD];
	_ =	sdelay $0x3  }
0x96: {  	_ =	strace s2  }
0x97: {  	_ =	strace $0x8FFFFFFF  }
0x98: {  	s18 =	sld [smem:$0x3FDB];
	_ =	sdelay $0x1  }
0x99: {  	s19 =	simm.s32 $_scs_section_size  }
0x9a: {  	s4 =	simm.s32 $_size__tile_overlayer_lowered;
	s5 =	simm.s32 $_tile_overlayer_lowered  }
0x9b: {  	s22 =	simm.s32 $0x1BFF;
	s21 =	sshll.u32 s5, $0x1;
	s2 =	sadd.s32 s19, s18  }
0x9c: {  	s6 =	simm.s32 $0x0;
	s20 =	sshll.u32 s4, $0x1;
	s4 =	sadd.s32 s21, s2  }
0x9d: {  	[timem:s6], [sflag:s22] =	dma.local [hbm:s4], s20  }
0x9e: {  	_ =	swait.ge [sflag:s22], s20  }
0x9f: {  	s3 =	ssub.s32 $0x0, s20;
	[sflag:s22] =	ssyncset.done $0x0  }
0xa0: {  	[sflag:s22] =	ssyncadd.s32 s3;
	_ =	sdelay $0x1  }
0xa1: {  	s23 =	simm.s32 $0x1B8B  }
0xa2: {  	_ =	swait.ge [sflag:s23], $0x1  }
0xa3: {  	[sflag:s23] =	ssyncset.done $0x0  }
0xa4: {  	s25 =	simm.s32 $0x1B8E;
	s24 =	sld [smem:$0x3FFE];
	[sflag:s23] =	ssyncadd.s32 $0xFFFFFFFF  }
0xa5: {  	s26 =	simm.s32 $execute0_lowered;
	[smem:$0x3FD2] =	sst s25  }
0xa6: {  	s4 =	sshll.u32 s26, $0x1;
	_ =	strace $0x80000046;
	[dreg:$0x1] =	wrdreg $0xFFFFFFFF  }
0xa7: {  	s28 =	simm.s32 $_size_execute0_lowered;
	s2 =	sadd.s32 s2, s4;
	[dreg:$0x0] =	wrdreg $0x0  }
0xa8: {  	s4 =	sshll.u32 s28, $0x1;
	[dreg:$0x2] =	wrdreg s2  }
0xa9: {  	[dreg:$0x3] =	wrdreg s4  }
0xaa: {  	[dreg:$0x4] =	wrdreg $0xC0  }
0xab: {  	_ =	task [dreg:s6], $0x5FFFF  }
0xac: {  	[dreg:$0x1] =	wrdreg $0xFFFFFFFF  }
0xad: {  	[dreg:$0x0] =	wrdreg $0x60  }
0xae: {  	[dreg:$0x2] =	wrdreg s24  }
0xaf: {  	[dreg:$0x3] =	wrdreg $0x0  }
0xb0: {  	[dreg:$0x4] =	wrdreg $0x9  }
0xb1: {  	_ =	task.clear_ibuf [dreg:s6], $0x5FFFF;
	_ =	strace $0x90000046  }
0xb2: {  	s29 =	simm.s32 $0x9;
	_ =	strace $0x80000048  }
0xb3: {  	_ =	swait.ge [sflag:s29], $0x1  }
0xb4: {  	[sflag:s29] =	ssyncadd.s32 $0xFFFFFFFF  }
0xb5: {  	_ =	strace $0x90000048  }
0xb6: {  	_ =	sfence  }
0xb7: {  	s30 =	sld [smem:$0x0];
	_ =	sdelay $0x2  }
0xb8: {  	s31 =	sshll.u32 s1, $0xD;
	s1 =	sshrl.u32 s1, $0x2  }
0xb9: {  	s3 =	sand.u32 $0x4000, s31;
	s1 =	sadd.s32 s1, s30  }
0xba: {  	s0 =	sor.u32 s3, s0;
	s1 =	sshll.u32 s1, $0x11  }
0xbb: {  	s0 =	sor.u32 s1, s0  }
0xbc: {  	s0 =	sadd.s32 $0x8F2B, s0  }
0xbd: {  	[sflag:s0] =	ssyncadd.remote.s32 $0x1  }
0xbe: {  	_ =	sfence.sel $0xFFFF  }
0xbf: {  	[dreg:$0x0] =	wrdreg $0xFFFFFFFF;
	(pc) =	sbr.abs _section_cstart, $3  }
0xc0: {  	[dreg:$0x1] =	wrdreg $0xFFFFFFFF  }
0xc1: {  	_ =	task.clear_ibuf [dreg:s6], $0x2FFFF;
	_ =	strace $0x9FFFFFFF  }
0xc2: {  	(tm) =	ssettm $0x7FFFFFFF  }
0xc3: {  	_ =	shalt  }
tec
execute0_lowered:
.L_overlay_start_1:
0x0: {  	(tag) =	ssettag $0x1  }
0x1: {  	s4 =	rddreg [dreg:$0x0];
	s0 =	srdreg.scid  }
0x2: {  	s8 =	stileid.u32;
	s1 =	rddreg [dreg:$0x1];
	s2 =	simm.s32 $0x0  }
0x3: {  	s11 =	simm.s32 $0x2100;
	s12 =	simm.s32 $0x100;
	s13 =	simm.s32 $0x1100  }
0x4: {  	s14 =	simm.s32 $0x1;
	s15 =	simm.s32 $0x3100;
	s16 =	simm.s32 $0x0  }
0x5: {  	s5 =	sand.u32 $0x1, s0;
	s3 =	sshll.u32 s8, $0x1;
	s0 =	rddreg [dreg:$0x2]  }
0x6: {  	[smem:$0x7FF] =	sst s2;
	p0 =	sne.s32 s8, $0x0;
	s6 =	sor.u32 s5, s3  }
0x7: {  	_ =	strace $0x80000047;
	s3 =	sadd.s32 $0x6E00, s4;
	s5 =	ssub.s32 $0x2, s5  }
0x8: {  	s8 =	sshrl.u32 @!p0 s1, $0x3;
	s7 =	sshll.u32 s6, $0x5;
	s9 =	sshll.u32 s6, $0x9  }
0x9: {  	s6 =	sshll.u32 s6, $0x4;
	s31 =	sshrl.u32 s5, $0x1;
	s7 =	sadd.s32 s7, s4  }
0xa: {  	s9 =	sadd.s32 s9, s4;
	s6 =	sadd.s32 s6, s4;
	s10 =	ssub.s32 s5, s31  }
0xb: {  	s4 =	sadd.s32 $0x6A00, s7;
	s5 =	sadd.s32 $0x2800, s9;
	s6 =	sadd.s32 $0x8E00, s6  }
0xc: {  	s7 =	smax.u32 s10, $0x1;
	s9 =	simm.s32 $0x1000;
	s10 =	simm.s32 $0x2  }
.LBB2_1:
0xd: {  	s17 =	simm.s32 @!p0 $0x1C02  }
0xe: {  	[spmem:s8], [sflag:s17] =	dma.local @!p0 [hbm:s3], $0x2000  }
0xf: {  	s17 =	simm.s32 @!p0 $0x2  }
0x10: {  	_ =	swait.ge @!p0 [sflag:s17], $0x2000  }
0x11: {  	[sflag:s17] =	ssyncset.done @!p0 $0x0  }
0x12: {  	[sflag:s17] =	ssyncadd.s32 @!p0 $0xFFFFE000  }
0x13: {  	[tilespmem:s9], [sflag:$0x2] =	stream.linear.gather [hbm4b:s4+s2], $0x100, $0x38;
	[tilespmem:$0x3110] =	vst v63  }
0x14: {  	_ =	swait.ge [sflag:s10], $0x100  }
0x15: {  	[sflag:s10] =	ssyncset.done $0x0  }
0x16: {  	[sflag:s10] =	ssyncadd.s32 $0xFFFFFF00  }
0x17: {  	[tilespmem:s11], [sflag:$0x2] =	stream.linear.gather [hbm4b:s5+s2], $0x1000, $0x38;
	[tilespmem:$0x3110] =	vst v63  }
0x18: {  	_ =	swait.ge [sflag:s10], $0x1000  }
0x19: {  	[sflag:s10] =	ssyncset.done $0x0  }
0x1a: {  	[sflag:s10] =	ssyncadd.s32 $0xFFFFF000  }
0x1b: {  	[bflag:$0x0] =	sbarrier.arrive $0xFFFF  }
0x1c: {  	[tilespmem:s13], [sflag:$0x1] =	stream.indirect.gather [spmem:s1], $0x10, s9, s12, $0xb8;
	[tilespmem:$0x3110] =	vst v63  }
0x1d: {  	_ =	swait.ge [sflag:s14], $0x1000  }
0x1e: {  	[sflag:s14] =	ssyncset.done $0x0  }
0x1f: {  	s18 =	simm.s32 $0x0;
	[sflag:s14] =	ssyncadd.s32 $0xFFFFF000  }
0x20: {  	v1 =	vld [tilespmem:s18+$0x2100]  }
0x21: {  	v2 =	vld [tilespmem:s18+$0x1100];
	_ =	sdelay $0x2  }
0x22: {  	v0 =	vimm.f32 $0.0e+00;
	s17 =	simm.s32 $0x40  }
.LBB2_2:
0x23: {  	s18 =	sshra.s32 s17, $0x2;
	p1 =	sne.s32 s17, $0x3FC0  }
.Ltmp0:
0x24: {  	s17 =	sadd.s32 $0x40, s17;
	v3 =	vsub.f32 v1, v2;
	v1 =	vld [tilespmem:s18+$0x2100];
	(pc) =	sbr.rel @p1 .LBB2_2-.Ltmp0, $3  }
0x25: {  	v2 =	vld [tilespmem:s18+$0x1100]  }
0x26: {  	v3 =	vmul.f32 v3, v3;
	_ =	sdelay $0x1  }
0x27: {  	v0 =	vadd.f32 v3, v0  }
0x28: {  	_ = 	snop  }
0x29: {  	v1 =	vsub.f32 v1, v2;
	_ =	sdelay $0x1  }
0x2a: {  	v1 =	vmul.f32 v1, v1;
	_ =	sdelay $0x1  }
0x2b: {  	s16 =	sadd.s32 $0x1, s16;
	v0 =	vadd.f32 v1, v0  }
0x2c: {  	p1 =	sne.s32 s16, s7  }
.Ltmp1:
0x2d: {  	[tilespmem:$0x3100] =	vst v0;
	(pc) =	sbr.rel @p1 .LBB2_1-.Ltmp1, $4  }
0x2e: {  	[hbm4b:s6+s2] =	stream.linear.scatter [tilespmem:s15], [sflag:$0x2], $0x10, $0x38;
	[tilespmem:$0x3110] =	vst v63  }
0x2f: {  	_ =	swait.ge [sflag:s10], $0x10  }
0x30: {  	[sflag:s10] =	ssyncset.done $0x0  }
0x31: {  	[sflag:s10] =	ssyncadd.s32 $0xFFFFFFF0  }
0x32: {  	_ =	sfence.sel $0x180000  }
0x33: {  	[bflag:$0x0] =	sbarrier.arrive $0xFFFF  }
0x34: {  	_ =	strace $0x90000047  }
0x35: {  	s0 =	sadd.s32 @!p0 $0x100000, s0;
	[bflag:$0x2] =	sbarrier.arrive $0xFFFF  }
0x36: {  	[sflag:s0] =	ssyncadd.tile.s32 @!p0 $0x1;
	_ =	shalt  }
.Lfunc_end2:
_tile_overlayer_lowered:
.L_overlay_start_2:
0x37: {  	(tag) =	ssettag $0x2  }
0x38: {  	s0 =	rddreg [dreg:$0x0];
	s2 =	stileid.u32  }
0x39: {  	s1 =	rddreg [dreg:$0x1];
	p0 =	sne.s32 s2, $0x0  }
0x3a: {  	s3 =	rddreg [dreg:$0x2];
	[bflag:$0x3] =	sbarrier.arrive $0xFFFF;
	s2 =	simm.s32 @!p0 $0x1C02  }
0x3b: {  	[timem:s3], [sflag:s2] =	dma.local @!p0 [hbm:s0], s1  }
0x3c: {  	s0 =	simm.s32 @!p0 $0x2  }
0x3d: {  	_ =	swait.ge @!p0 [sflag:s0], s1  }
0x3e: {  	s1 =	ssub.s32 @!p0 $0x0, s1;
	[sflag:s0] =	ssyncset.done @!p0 $0x0  }
0x3f: {  	[sflag:s0] =	ssyncadd.s32 @!p0 s1  }
0x40: {  	[bflag:$0x3] =	sbarrier.arrive $0xFFFF  }
0x41: {  	_ =	shalt  }

</sc_bundles>
